<compile_context>
chip_gen: v7x
topology: tpu7x:2x2x1
jax: 0.10.2.dev20260603
libtpu: 0.0.44.dev20260713+nightly
codegen_flags: <defaults>
</compile_context>

<pallas_src>
import numpy as np
import jax
import jax.numpy as jnp
from jax import lax
from jax.experimental import pallas as pl
from jax.experimental.pallas import tpu as pltpu
from jax.experimental.pallas import tpu_sc as plsc

_F = 2048
_L = 345
_R = 16
_C = 128
_NS = 128
_LP = 384
_XF = 258
_HI = jax.lax.Precision.HIGHEST


def _build_consts():
    cols = []
    sel = np.zeros((_XF, 153), np.float32)
    for i in range(63):
        sel[i, i] = 1.0
    for p in range(25):
        for cc in range(2):
            sel[63 + 3 * p + cc, 63 + 2 * p + cc] = 1.0
    for p in range(20):
        for cc in range(2):
            sel[138 + 3 * p + cc, 113 + 2 * p + cc] = 1.0
    cols.append(sel)

    def add_region(npts, ncoord, base):
        r, c = np.triu_indices(npts, k=1)
        for cc in range(ncoord):
            m = np.zeros((_XF, len(r)), np.float32)
            m[base + 3 * r + cc, np.arange(len(r))] = 1.0
            m[base + 3 * c + cc, np.arange(len(r))] -= 1.0
            cols.append(m)

    add_region(21, 3, 0)
    add_region(25, 2, 63)
    add_region(20, 2, 138)
    add_region(20, 2, 198)
    return np.concatenate(cols, axis=1)


_FM_NP = _build_consts()


def _index_kernel(x_ref, ord_ref, meta_ref, xpad_ref):
    x = x_ref[...]
    x = jnp.where(jnp.isnan(x), jnp.float32(0.0), x)
    xpad_ref[:, 0:_L] = x
    xpad_ref[:, _L:_LP] = jnp.zeros((_F, _LP - _L), jnp.float32)
    xr = x.reshape(_R, _C, _L)
    lh = xr[:, :, 120:183]
    rh = xr[:, :, 282:345]
    lcnt = jnp.sum((lh != 0.0).astype(jnp.float32))
    rcnt = jnp.sum((rh != 0.0).astype(jnp.float32))
    cond = lcnt > rcnt

    hand = jnp.where(cond, lh, rh)
    fs = jnp.sum(hand, axis=2)
    mask = (fs != 0.0).astype(jnp.float32)

    jj = jax.lax.broadcasted_iota(jnp.int32, (_C, _C), 0)
    kk = jax.lax.broadcasted_iota(jnp.int32, (_C, _C), 1)
    tri = (jj <= kk).astype(jnp.bfloat16)
    crow = jnp.dot(mask.astype(jnp.bfloat16), tri,
                   preferred_element_type=jnp.float32)
    tot = crow[:, _C - 1:_C]
    aa = jax.lax.broadcasted_iota(jnp.int32, (_R, _R), 0)
    bb = jax.lax.broadcasted_iota(jnp.int32, (_R, _R), 1)
    lstrict = (bb < aa).astype(jnp.bfloat16)
    pre = jnp.dot(lstrict, tot.astype(jnp.bfloat16),
                  preferred_element_type=jnp.float32)
    kinc = crow + pre
    nkept = pre[_R - 1:_R, 0:1] + tot[_R - 1:_R, 0:1]

    gr = jax.lax.broadcasted_iota(jnp.int32, (_R, _C), 0)
    gj = jax.lax.broadcasted_iota(jnp.int32, (_R, _C), 1)
    gidx = (gr * _C + gj).astype(jnp.float32)
    dinc = (gidx + 1.0) - kinc
    pos = jnp.where(mask > 0, kinc - 1.0, nkept + dinc - 1.0)

    p_iota = jax.lax.broadcasted_iota(jnp.int32, (_R, _C, _NS), 2)
    pos3 = pos.astype(jnp.int32)[:, :, None]
    oh = (pos3 == p_iota).astype(jnp.float32).reshape(_F, _NS)
    gflat = jax.lax.broadcasted_iota(jnp.int32, (1, _F), 1).astype(jnp.float32)
    ordf = jnp.dot(gflat, oh, precision=_HI)
    ord_ref[...] = ordf.astype(jnp.int32)

    l_iota = jax.lax.broadcasted_iota(jnp.int32, (1, _C), 1)
    condf = jnp.where(cond, jnp.float32(1.0), jnp.float32(0.0))
    meta_ref[...] = (jnp.where(l_iota == 0, condf, 0.0)
                     + jnp.where(l_iota == 1, nkept, 0.0))


_NW = 16
_RPW = _NS // _NW
_NC = 2


def _sc_gather(x_hbm, ord_hbm):
    mesh = plsc.VectorSubcoreMesh(core_axis_name="c", subcore_axis_name="s")

    def body(x_ref, ord_ref, out_ref, idx_v, rows_v, sem):
        wid = lax.axis_index("s") * _NC + lax.axis_index("c")

        @pl.when(wid < _NW)
        def _():
            base = wid * _RPW
            pltpu.sync_copy(ord_ref.at[pl.ds(base, _RPW)], idx_v)
            pltpu.async_copy(x_ref.at[idx_v], rows_v, sem).wait()
            pltpu.sync_copy(rows_v, out_ref.at[pl.ds(base, _RPW)])

    return pl.kernel(
        body,
        out_type=jax.ShapeDtypeStruct((_NS, _LP), jnp.float32),
        mesh=mesh,
        scratch_types=[
            pltpu.VMEM((_RPW,), jnp.int32),
            pltpu.VMEM((_RPW, _LP), jnp.float32),
            pltpu.SemaphoreType.DMA,
        ],
    )(x_hbm, ord_hbm)


def _feature_kernel(g_ref, meta_ref, fm_ref, out_ref):
    g = g_ref[:, 0:_L]
    meta = meta_ref[...]
    cond = meta[0:1, 0:1] > 0.0
    nkept = meta[0:1, 1:2]

    h = jnp.where(cond, g[:, 120:183], g[:, 282:345])
    xf = jnp.concatenate([h, g[:, 183:258], g[:, 0:120]], axis=1)
    lane = jax.lax.broadcasted_iota(jnp.int32, (_NS, _XF), 1)
    neg = jnp.logical_and(cond, lane % 3 == 0)
    xf = jnp.where(neg, -xf, xf)

    fm = fm_ref[...]
    xf_hi = xf.astype(jnp.bfloat16)
    xf_lo = (xf - xf_hi.astype(jnp.float32)).astype(jnp.bfloat16)
    y = (jnp.dot(xf_hi, fm, preferred_element_type=jnp.float32)
         + jnp.dot(xf_lo, fm, preferred_element_type=jnp.float32))
    coords = y[:, 0:153]
    dd = y[:, 153:]

    jj = jax.lax.broadcasted_iota(jnp.int32, (_C, _C), 0)
    kk = jax.lax.broadcasted_iota(jnp.int32, (_C, _C), 1)
    sh = (kk == jj + 1).astype(jnp.float32)
    coords_next = jnp.dot(sh, coords, precision=_HI)
    s_iota = jax.lax.broadcasted_iota(jnp.int32, (_NS, 1), 0).astype(jnp.float32)
    nk = (s_iota < (nkept - 1.0)).astype(jnp.float32)
    dcoords = (coords - coords_next) * nk

    hd = jnp.sqrt(dd[:, 0:210] ** 2 + dd[:, 210:420] ** 2 + dd[:, 420:630] ** 2)
    pd = jnp.sqrt(dd[:, 630:930] ** 2 + dd[:, 930:1230] ** 2)
    od = jnp.sqrt(dd[:, 1230:1420] ** 2 + dd[:, 1420:1610] ** 2)
    idd = jnp.sqrt(dd[:, 1610:1800] ** 2 + dd[:, 1800:1990] ** 2)

    out_ref[:, 0:153] = coords[:100]
    out_ref[:, 153:306] = dcoords[:100]
    out_ref[:, 306:516] = hd[:100]
    out_ref[:, 516:816] = pd[:100]
    out_ref[:, 816:1006] = od[:100]
    out_ref[:, 1006:1196] = idd[:100]


def kernel(x):
    x2 = x.reshape(_F, _L)
    ordi, meta, xpad = pl.pallas_call(
        _index_kernel,
        out_shape=[
            jax.ShapeDtypeStruct((1, _NS), jnp.int32),
            jax.ShapeDtypeStruct((1, _C), jnp.float32),
            jax.ShapeDtypeStruct((_F, _LP), jnp.float32),
        ],
    )(x2)
    gathered = _sc_gather(xpad, ordi.reshape(_NS))
    fm = jnp.asarray(_FM_NP, dtype=jnp.bfloat16)
    out = pl.pallas_call(
        _feature_kernel,
        out_shape=jax.ShapeDtypeStruct((100, 1196), jnp.float32),
    )(gathered, meta, fm)
    return out.reshape(1, 100, 1196)

# --- scband reference (transcript-rebuilt; emitter-appended) ---
"""Pipeline reference for scband-feature-gen-keras-2095944041142 (READ-ONLY COPY).

The authoritative reference and input builder live on the scoring server;
editing this copy changes nothing except your own understanding.
"""

import jax, jax.numpy as jnp
import numpy as np

HTRIU = jnp.triu(jnp.ones((21, 21), dtype=jnp.float32), k=1)
PTRIU = jnp.triu(jnp.ones((25, 25), dtype=jnp.float32), k=1)
LTRIU = jnp.triu(jnp.ones((20, 20), dtype=jnp.float32), k=1)


def _pairdist_masked(pts, triu, n):
    d = pts[:, :, None, :] - pts[:, None, :, :]
    d = jnp.sqrt(jnp.sum(jnp.square(d), axis=-1)) + 1.0
    d = d * triu
    rows, cols = jnp.triu_indices(n, k=1)
    vals = d[:, rows, cols].reshape(-1)
    return vals - 1.0


def setup_inputs(seed: int = 0) -> dict:
    key = jax.random.key(seed)
    x = jax.random.normal(key, (2048, 115, 3), dtype=jnp.float32)
    return {"x": x}


def reference(x):
    x = jnp.where(jnp.isnan(x), jnp.float32(0.0), x)
    lefth_x = x[:, 40:61, :]
    righth_x = x[:, 94:, :]
    pose_x = x[:, 61:86, :]
    lip_x = x[:, :40, :]
    lefth_sum = jnp.sum((lefth_x != 0).astype(jnp.float32))
    righth_sum = jnp.sum((righth_x != 0).astype(jnp.float32))
    cond = lefth_sum > righth_sum
    h_x = jnp.where(cond, lefth_x, righth_x)
    xfeat = jnp.where(cond,
                      jnp.concatenate([lefth_x, pose_x, lip_x], axis=1),
                      jnp.concatenate([righth_x, pose_x, lip_x], axis=1))
    xc = xfeat[:, :, 0]
    xc = jnp.where(cond, -xc, xc)
    xfeat = jnp.concatenate([xc[:, :, None], xfeat[:, :, 1:]], axis=-1)
    h_flat = h_x.reshape(-1, 21 * 3)
    frame_mask = jnp.sum(h_flat, axis=1) != 0
    order = jnp.argsort(jnp.logical_not(frame_mask), stable=True)
    xfeat = xfeat[order]
    mask_sorted = frame_mask[order]
    next_kept = jnp.concatenate(
        [mask_sorted[1:], jnp.zeros((1,), dtype=jnp.bool_)], axis=0)
    diff_full = jnp.concatenate(
        [xfeat[:-1] - xfeat[1:],
         jnp.zeros((1, xfeat.shape[1], xfeat.shape[2]), dtype=xfeat.dtype)],
        axis=0)
    dxyz = jnp.where(next_kept[:, None, None], diff_full,
                     jnp.zeros((), dtype=xfeat.dtype))
    hdist = _pairdist_masked(xfeat[:, :21, :3], HTRIU, 21)
    pdist = _pairdist_masked(xfeat[:, 21:46, :2], PTRIU, 25)
    oldist = _pairdist_masked(xfeat[:, 46:66, :2], LTRIU, 20)
    ildist = _pairdist_masked(xfeat[:, 66:86, :2], LTRIU, 20)
    out = jnp.concatenate([
        xfeat[:, :21, :3].reshape(-1, 21 * 3),
        xfeat[:, 21:46, :2].reshape(-1, 25 * 2),
        xfeat[:, 46:66, :2].reshape(-1, 20 * 2),
        dxyz[:, :21, :3].reshape(-1, 21 * 3),
        dxyz[:, 21:46, :2].reshape(-1, 25 * 2),
        dxyz[:, 46:66, :2].reshape(-1, 20 * 2),
        hdist.reshape(-1, 210),
        pdist.reshape(-1, 300),
        oldist.reshape(-1, 190),
        ildist.reshape(-1, 190),
    ], axis=-1)
    out = out[:100]
    return out.reshape(1, -1, 1196)

if __name__ == "__main__":
    import jax
    _d = setup_inputs()
    print(jax.jit(kernel)(*tuple(_d.values())))

</pallas_src>

<mosaic_0001>
#map = affine_map<(d0, d1) -> (0, 0)>
#map1 = affine_map<(d0, d1) -> (0)>
module attributes {stable_mosaic.version = 14 : i64} {
  func.func @body(%arg0: i32, %arg1: i32, %arg2: memref<2048x384xf32, #tpu.memory_space<hbm>>, %arg3: memref<128xi32, #tpu.memory_space<hbm>>, %arg4: memref<128x384xf32, #tpu.memory_space<hbm>>, %arg5: memref<8xi32, #tpu.memory_space<vmem>>, %arg6: memref<8x384xf32, #tpu.memory_space<vmem>>, %arg7: memref<!tpu.dma_semaphore, #tpu.memory_space<semaphore_mem>>) attributes {dimension_semantics = [#tpu.dimension_semantics<core_parallel>, #tpu.dimension_semantics<subcore_parallel>], iteration_bounds = array<i64: 2, 16>, scalar_prefetch = 0 : i64, scratch_operands = 3 : i64, tpu.core_type = #tpu.core_type<sc_vector_subcore>, window_params = [{transform_indices = #map}, {transform_indices = #map1}, {transform_indices = #map}]} {
    %mul3A = arith.constant 2 : i32
    %mul3A_0 = arith.muli %arg1, %mul3A : i32
    %add3A = arith.addi %mul3A_0, %arg0 : i32
    %lt3A = arith.constant 16 : i32
    %lt3A_1 = arith.cmpi slt, %add3A, %lt3A : i32
    %convert_element_type3A = arith.extui %lt3A_1 : i1 to i32
    %cond3A = arith.constant 0 : i32
    %cond3A_2 = arith.cmpi ne, %convert_element_type3A, %cond3A : i32
    scf.if %cond3A_2 {
      %mul3A_3 = arith.constant 8 : i32
      %mul3A_4 = arith.muli %add3A, %mul3A_3 : i32
      "tpu.region"() ({
        %run_scoped3A = tpu.sem_alloc : memref<!tpu.dma_semaphore, #tpu.memory_space<semaphore_mem>>
        %dma_start3A_9 = tpu.memref_slice %arg3[%mul3A_4] : memref<128xi32, #tpu.memory_space<hbm>> -> memref<8xi32, #tpu.memory_space<hbm>>
        %dma_start3A_10 = tpu.memref_slice %arg3[%mul3A_4] : memref<128xi32, #tpu.memory_space<hbm>> -> memref<8xi32, #tpu.memory_space<hbm>>
        tpu.enqueue_dma source(%dma_start3A_10 : memref<8xi32, #tpu.memory_space<hbm>>) target(%arg5 : memref<8xi32, #tpu.memory_space<vmem>>) target_semaphore(%run_scoped3A : memref<!tpu.dma_semaphore, #tpu.memory_space<semaphore_mem>>)
        %dma_wait3A_11 = tpu.memref_slice %arg3[%mul3A_4] : memref<128xi32, #tpu.memory_space<hbm>> -> memref<8xi32, #tpu.memory_space<hbm>>
        %dma_wait3A_12 = tpu.memref_slice %arg3[%mul3A_4] : memref<128xi32, #tpu.memory_space<hbm>> -> memref<8xi32, #tpu.memory_space<hbm>>
        tpu.wait_dma2 semaphore(%run_scoped3A : memref<!tpu.dma_semaphore, #tpu.memory_space<semaphore_mem>>) src(%dma_wait3A_12 : memref<8xi32, #tpu.memory_space<hbm>>) dst(%arg5 : memref<8xi32, #tpu.memory_space<vmem>>)
        tpu.yield
      }) : () -> ()
      %dma_start3A = arith.constant 0 : i32
      %dma_start3A_5 = arith.constant 0 : i32
      %dma_start3A_6 = tpu.memref_slice %arg2[%dma_start3A, %dma_start3A_5] : memref<2048x384xf32, #tpu.memory_space<hbm>> -> memref<2048x384xf32, #tpu.memory_space<hbm>>
      tpu.enqueue_indirect_dma source(%dma_start3A_6 : memref<2048x384xf32, #tpu.memory_space<hbm>>) target(%arg6 : memref<8x384xf32, #tpu.memory_space<vmem>>) offsets(%arg5 : memref<8xi32, #tpu.memory_space<vmem>>) semaphore(%arg7 : memref<!tpu.dma_semaphore, #tpu.memory_space<semaphore_mem>>)
      %dma_wait3A = arith.constant 0 : i32
      %dma_wait3A_7 = arith.constant 0 : i32
      %dma_wait3A_8 = tpu.memref_slice %arg2[%dma_wait3A, %dma_wait3A_7] : memref<2048x384xf32, #tpu.memory_space<hbm>> -> memref<2048x384xf32, #tpu.memory_space<hbm>>
      tpu.wait_indirect_dma semaphore(%arg7 : memref<!tpu.dma_semaphore, #tpu.memory_space<semaphore_mem>>) src(%dma_wait3A_8 : memref<2048x384xf32, #tpu.memory_space<hbm>>) dst(%arg6 : memref<8x384xf32, #tpu.memory_space<vmem>>)
      "tpu.region"() ({
        %run_scoped3A = tpu.sem_alloc : memref<!tpu.dma_semaphore, #tpu.memory_space<semaphore_mem>>
        %dma_start3A_9 = arith.constant 0 : i32
        %dma_start3A_10 = tpu.memref_slice %arg4[%mul3A_4, %dma_start3A_9] : memref<128x384xf32, #tpu.memory_space<hbm>> -> memref<8x384xf32, #tpu.memory_space<hbm>>
        %dma_start3A_11 = arith.constant 0 : i32
        %dma_start3A_12 = tpu.memref_slice %arg4[%mul3A_4, %dma_start3A_11] : memref<128x384xf32, #tpu.memory_space<hbm>> -> memref<8x384xf32, #tpu.memory_space<hbm>>
        tpu.enqueue_dma source(%arg6 : memref<8x384xf32, #tpu.memory_space<vmem>>) target(%dma_start3A_12 : memref<8x384xf32, #tpu.memory_space<hbm>>) target_semaphore(%run_scoped3A : memref<!tpu.dma_semaphore, #tpu.memory_space<semaphore_mem>>)
        %dma_wait3A_13 = arith.constant 0 : i32
        %dma_wait3A_14 = tpu.memref_slice %arg4[%mul3A_4, %dma_wait3A_13] : memref<128x384xf32, #tpu.memory_space<hbm>> -> memref<8x384xf32, #tpu.memory_space<hbm>>
        %dma_wait3A_15 = arith.constant 0 : i32
        %dma_wait3A_16 = tpu.memref_slice %arg4[%mul3A_4, %dma_wait3A_15] : memref<128x384xf32, #tpu.memory_space<hbm>> -> memref<8x384xf32, #tpu.memory_space<hbm>>
        tpu.wait_dma2 semaphore(%run_scoped3A : memref<!tpu.dma_semaphore, #tpu.memory_space<semaphore_mem>>) src(%arg6 : memref<8x384xf32, #tpu.memory_space<vmem>>) dst(%dma_wait3A_16 : memref<8x384xf32, #tpu.memory_space<hbm>>)
        tpu.yield
      }) : () -> ()
    } else {
    }
    return
  }
}

module attributes {stable_mosaic.version = 14 : i64} {
  func.func @_index_kernel(%arg0: memref<2048x345xf32, #tpu.memory_space<vmem>>, %arg1: memref<1x128xi32, #tpu.memory_space<vmem>>, %arg2: memref<1x128xf32, #tpu.memory_space<vmem>>, %arg3: memref<2048x384xf32, #tpu.memory_space<vmem>>) attributes {dimension_semantics = [], scalar_prefetch = 0 : i64, scratch_operands = 0 : i64, tpu.core_type = #tpu.core_type<tc>} {
    %get3A = arith.constant 0 : index
    %get3A_0 = arith.constant 0 : index
    %get3A_1 = vector.load %arg0[%get3A, %get3A_0] : memref<2048x345xf32, #tpu.memory_space<vmem>>, vector<2048x345xf32>
    %ne3A = arith.cmpf one, %get3A_1, %get3A_1 : vector<2048x345xf32>
    %jit3A = arith.constant 0.000000e+00 : f32
    %broadcast_in_dim3A = vector.broadcast %jit3A : f32 to vector<2048x345xf32>
    %select_n3A = arith.select %ne3A, %broadcast_in_dim3A, %get3A_1 : vector<2048x345xi1>, vector<2048x345xf32>
    %swap3A = arith.constant 0 : index
    %swap3A_2 = arith.constant 0 : index
    %swap3A_3 = vector.load %arg3[%swap3A, %swap3A_2] : memref<2048x384xf32, #tpu.memory_space<vmem>>, vector<2048x345xf32>
    tpu.vector_store %arg3[%swap3A, %swap3A_2], %select_n3A {strides = array<i32>} : memref<2048x384xf32, #tpu.memory_space<vmem>>, vector<2048x345xf32>,
    %broadcast_in_dim3A_4 = arith.constant 0.000000e+00 : f32
    %broadcast_in_dim3A_5 = vector.broadcast %broadcast_in_dim3A_4 : f32 to vector<2048x39xf32>
    %swap3A_6 = arith.constant 0 : index
    %swap3A_7 = arith.constant 345 : index
    %swap3A_8 = vector.load %arg3[%swap3A_6, %swap3A_7] : memref<2048x384xf32, #tpu.memory_space<vmem>>, vector<2048x39xf32>
    tpu.vector_store %arg3[%swap3A_6, %swap3A_7], %broadcast_in_dim3A_5 {strides = array<i32>} : memref<2048x384xf32, #tpu.memory_space<vmem>>, vector<2048x39xf32>,
    %reshape3A = vector.shape_cast %select_n3A : vector<2048x345xf32> to vector<16x128x345xf32>
    %slice3A = vector.extract_strided_slice %reshape3A {offsets = [0, 0, 120], sizes = [16, 128, 63], strides = [1, 1, 1]} : vector<16x128x345xf32> to vector<16x128x63xf32>
    %slice3A_9 = vector.extract_strided_slice %reshape3A {offsets = [0, 0, 282], sizes = [16, 128, 63], strides = [1, 1, 1]} : vector<16x128x345xf32> to vector<16x128x63xf32>
    %ne3A_10 = arith.constant 0.000000e+00 : f32
    %ne3A_11 = vector.broadcast %ne3A_10 : f32 to vector<16x128x63xf32>
    %ne3A_12 = arith.cmpf one, %slice3A, %ne3A_11 : vector<16x128x63xf32>
    %convert_element_type3A = arith.extui %ne3A_12 : vector<16x128x63xi1> to vector<16x128x63xi32>
    %convert_element_type3A_13 = arith.sitofp %convert_element_type3A : vector<16x128x63xi32> to vector<16x128x63xf32>
    %reduce_sum3A = vector.shape_cast %convert_element_type3A_13 : vector<16x128x63xf32> to vector<1x16x128x63xf32>
    %reduce_sum3A_14 = arith.constant dense<0.000000e+00> : vector<1xf32>
    %reduce_sum3A_15 = vector.multi_reduction <add>, %reduce_sum3A, %reduce_sum3A_14 [1, 2, 3] : vector<1x16x128x63xf32> to vector<1xf32>
    %reduce_sum3A_16 = vector.shape_cast %reduce_sum3A_15 : vector<1xf32> to vector<1x1x1x1xf32>
    %reduce_sum3A_17 = vector.extract %reduce_sum3A_16[0, 0, 0, 0] : f32 from vector<1x1x1x1xf32>
    %ne3A_18 = arith.constant 0.000000e+00 : f32
    %ne3A_19 = vector.broadcast %ne3A_18 : f32 to vector<16x128x63xf32>
    %ne3A_20 = arith.cmpf one, %slice3A_9, %ne3A_19 : vector<16x128x63xf32>
    %convert_element_type3A_21 = arith.extui %ne3A_20 : vector<16x128x63xi1> to vector<16x128x63xi32>
    %convert_element_type3A_22 = arith.sitofp %convert_element_type3A_21 : vector<16x128x63xi32> to vector<16x128x63xf32>
    %reduce_sum3A_23 = vector.shape_cast %convert_element_type3A_22 : vector<16x128x63xf32> to vector<1x16x128x63xf32>
    %reduce_sum3A_24 = arith.constant dense<0.000000e+00> : vector<1xf32>
    %reduce_sum3A_25 = vector.multi_reduction <add>, %reduce_sum3A_23, %reduce_sum3A_24 [1, 2, 3] : vector<1x16x128x63xf32> to vector<1xf32>
    %reduce_sum3A_26 = vector.shape_cast %reduce_sum3A_25 : vector<1xf32> to vector<1x1x1x1xf32>
    %reduce_sum3A_27 = vector.extract %reduce_sum3A_26[0, 0, 0, 0] : f32 from vector<1x1x1x1xf32>
    %gt3A = arith.cmpf ogt, %reduce_sum3A_17, %reduce_sum3A_27 : f32
    %select_n3A_28 = arith.select %gt3A, %slice3A, %slice3A_9 : vector<16x128x63xf32>
    %reduce_sum3A_29 = arith.constant dense<0.000000e+00> : vector<16x128xf32>
    %reduce_sum3A_30 = vector.multi_reduction <add>, %select_n3A_28, %reduce_sum3A_29 [2] : vector<16x128x63xf32> to vector<16x128xf32>
    %ne3A_31 = arith.constant 0.000000e+00 : f32
    %ne3A_32 = vector.broadcast %ne3A_31 : f32 to vector<16x128xf32>
    %ne3A_33 = arith.cmpf one, %reduce_sum3A_30, %ne3A_32 : vector<16x128xf32>
    %convert_element_type3A_34 = arith.extui %ne3A_33 : vector<16x128xi1> to vector<16x128xi32>
    %convert_element_type3A_35 = arith.sitofp %convert_element_type3A_34 : vector<16x128xi32> to vector<16x128xf32>
    %iota3A = tpu.iota {dimensions = array<i32: 0>} : vector<128x128xi32>
    %iota3A_36 = tpu.iota {dimensions = array<i32: 1>} : vector<128x128xi32>
    %le3A = arith.cmpi sle, %iota3A, %iota3A_36 : vector<128x128xi32>
    %convert_element_type3A_37 = arith.extui %le3A : vector<128x128xi1> to vector<128x128xi32>
    %convert_element_type3A_38 = arith.sitofp %convert_element_type3A_37 : vector<128x128xi32> to vector<128x128xf32>
    %convert_element_type3A_39 = arith.truncf %convert_element_type3A_38 : vector<128x128xf32> to vector<128x128xbf16>
    %convert_element_type3A_40 = arith.truncf %convert_element_type3A_35 : vector<16x128xf32> to vector<16x128xbf16>
    %dot_general3A = arith.constant dense<0.000000e+00> : vector<16x128xf32>
    %dot_general3A_41 = tpu.matmul %convert_element_type3A_40, %convert_element_type3A_39, %dot_general3A {dimension_numbers = #tpu.dot_dimension_numbers<[1], [0], [0], [1], [0, 0, 1, 1], [], []>, transpose_lhs_hint = false} : vector<16x128xbf16>, vector<128x128xbf16>, vector<16x128xf32> -> vector<16x128xf32>
    %slice3A_42 = vector.extract_strided_slice %dot_general3A_41 {offsets = [0, 127], sizes = [16, 1], strides = [1, 1]} : vector<16x128xf32> to vector<16x1xf32>
    %iota3A_43 = tpu.iota {dimensions = array<i32: 0>} : vector<16x16xi32>
    %iota3A_44 = tpu.iota {dimensions = array<i32: 1>} : vector<16x16xi32>
    %lt3A = arith.cmpi slt, %iota3A_44, %iota3A_43 : vector<16x16xi32>
    %convert_element_type3A_45 = arith.extui %lt3A : vector<16x16xi1> to vector<16x16xi32>
    %convert_element_type3A_46 = arith.sitofp %convert_element_type3A_45 : vector<16x16xi32> to vector<16x16xf32>
    %convert_element_type3A_47 = arith.truncf %convert_element_type3A_46 : vector<16x16xf32> to vector<16x16xbf16>
    %convert_element_type3A_48 = arith.truncf %slice3A_42 : vector<16x1xf32> to vector<16x1xbf16>
    %dot_general3A_49 = arith.constant dense<0.000000e+00> : vector<16x1xf32>
    %dot_general3A_50 = tpu.matmul %convert_element_type3A_47, %convert_element_type3A_48, %dot_general3A_49 {dimension_numbers = #tpu.dot_dimension_numbers<[1], [0], [0], [1], [0, 0, 1, 1], [], []>, transpose_lhs_hint = false} : vector<16x16xbf16>, vector<16x1xbf16>, vector<16x1xf32> -> vector<16x1xf32>
    %add3A = vector.broadcast %dot_general3A_50 : vector<16x1xf32> to vector<16x128xf32>
    %add3A_51 = arith.addf %dot_general3A_41, %add3A : vector<16x128xf32>
    %slice3A_52 = vector.extract_strided_slice %dot_general3A_50 {offsets = [15, 0], sizes = [1, 1], strides = [1, 1]} : vector<16x1xf32> to vector<1x1xf32>
    %slice3A_53 = vector.extract_strided_slice %slice3A_42 {offsets = [15, 0], sizes = [1, 1], strides = [1, 1]} : vector<16x1xf32> to vector<1x1xf32>
    %add3A_54 = arith.addf %slice3A_52, %slice3A_53 : vector<1x1xf32>
    %iota3A_55 = tpu.iota {dimensions = array<i32: 0>} : vector<16x128xi32>
    %iota3A_56 = tpu.iota {dimensions = array<i32: 1>} : vector<16x128xi32>
    %mul3A = arith.constant 128 : i32
    %mul3A_57 = vector.broadcast %mul3A : i32 to vector<16x128xi32>
    %mul3A_58 = arith.muli %iota3A_55, %mul3A_57 : vector<16x128xi32>
    %add3A_59 = arith.addi %mul3A_58, %iota3A_56 : vector<16x128xi32>
    %convert_element_type3A_60 = arith.sitofp %add3A_59 : vector<16x128xi32> to vector<16x128xf32>
    %add3A_61 = arith.constant 1.000000e+00 : f32
    %add3A_62 = vector.broadcast %add3A_61 : f32 to vector<16x128xf32>
    %add3A_63 = arith.addf %convert_element_type3A_60, %add3A_62 : vector<16x128xf32>
    %sub3A = arith.subf %add3A_63, %add3A_51 : vector<16x128xf32>
    %gt3A_64 = arith.constant 0.000000e+00 : f32
    %gt3A_65 = vector.broadcast %gt3A_64 : f32 to vector<16x128xf32>
    %gt3A_66 = arith.cmpf ogt, %convert_element_type3A_35, %gt3A_65 : vector<16x128xf32>
    %sub3A_67 = arith.constant 1.000000e+00 : f32
    %sub3A_68 = vector.broadcast %sub3A_67 : f32 to vector<16x128xf32>
    %sub3A_69 = arith.subf %add3A_51, %sub3A_68 : vector<16x128xf32>
    %add3A_70 = vector.broadcast %add3A_54 : vector<1x1xf32> to vector<16x128xf32>
    %add3A_71 = arith.addf %add3A_70, %sub3A : vector<16x128xf32>
    %sub3A_72 = arith.constant 1.000000e+00 : f32
    %sub3A_73 = vector.broadcast %sub3A_72 : f32 to vector<16x128xf32>
    %sub3A_74 = arith.subf %add3A_71, %sub3A_73 : vector<16x128xf32>
    %select_n3A_75 = arith.select %gt3A_66, %sub3A_69, %sub3A_74 : vector<16x128xi1>, vector<16x128xf32>
    %iota3A_76 = tpu.iota {dimensions = array<i32: 2>} : vector<16x128x128xi32>
    %convert_element_type3A_77 = arith.fptosi %select_n3A_75 : vector<16x128xf32> to vector<16x128xi32>
    %broadcast_in_dim3A_78 = vector.shape_cast %convert_element_type3A_77 : vector<16x128xi32> to vector<16x128x1xi32>
    %eq3A = vector.broadcast %broadcast_in_dim3A_78 : vector<16x128x1xi32> to vector<16x128x128xi32>
    %eq3A_79 = arith.cmpi eq, %eq3A, %iota3A_76 : vector<16x128x128xi32>
    %convert_element_type3A_80 = arith.extui %eq3A_79 : vector<16x128x128xi1> to vector<16x128x128xi32>
    %convert_element_type3A_81 = arith.sitofp %convert_element_type3A_80 : vector<16x128x128xi32> to vector<16x128x128xf32>
    %reshape3A_82 = vector.shape_cast %convert_element_type3A_81 : vector<16x128x128xf32> to vector<2048x128xf32>
    %iota3A_83 = tpu.iota {dimensions = array<i32: 1>} : vector<1x2048xi32>
    %convert_element_type3A_84 = arith.sitofp %iota3A_83 : vector<1x2048xi32> to vector<1x2048xf32>
    %dot_general3A_85 = arith.constant dense<0.000000e+00> : vector<1x128xf32>
    %dot_general3A_86 = tpu.matmul %convert_element_type3A_84, %reshape3A_82, %dot_general3A_85 {dimension_numbers = #tpu.dot_dimension_numbers<[1], [0], [0], [1], [0, 0, 1, 1], [], []>, precision = #tpu.contract_precision<fp32>, transpose_lhs_hint = false} : vector<1x2048xf32>, vector<2048x128xf32>, vector<1x128xf32> -> vector<1x128xf32>
    %convert_element_type3A_87 = arith.fptosi %dot_general3A_86 : vector<1x128xf32> to vector<1x128xi32>
    %swap3A_88 = arith.constant 0 : index
    %swap3A_89 = arith.constant 0 : index
    %swap3A_90 = vector.load %arg1[%swap3A_88, %swap3A_89] : memref<1x128xi32, #tpu.memory_space<vmem>>, vector<1x128xi32>
    tpu.vector_store %arg1[%swap3A_88, %swap3A_89], %convert_element_type3A_87 {strides = array<i32>} : memref<1x128xi32, #tpu.memory_space<vmem>>, vector<1x128xi32>,
    %iota3A_91 = tpu.iota {dimensions = array<i32: 1>} : vector<1x128xi32>
    %jit3A_92 = arith.constant 1.000000e+00 : f32
    %jit3A_93 = arith.constant 0.000000e+00 : f32
    %select_n3A_94 = arith.select %gt3A, %jit3A_92, %jit3A_93 : f32
    %eq3A_95 = arith.constant 0 : i32
    %eq3A_96 = vector.broadcast %eq3A_95 : i32 to vector<1x128xi32>
    %eq3A_97 = arith.cmpi eq, %iota3A_91, %eq3A_96 : vector<1x128xi32>
    %jit3A_98 = arith.constant 0.000000e+00 : f32
    %broadcast_in_dim3A_99 = vector.broadcast %select_n3A_94 : f32 to vector<1x128xf32>
    %broadcast_in_dim3A_100 = vector.broadcast %jit3A_98 : f32 to vector<1x128xf32>
    %select_n3A_101 = arith.select %eq3A_97, %broadcast_in_dim3A_99, %broadcast_in_dim3A_100 : vector<1x128xi1>, vector<1x128xf32>
    %eq3A_102 = arith.constant 1 : i32
    %eq3A_103 = vector.broadcast %eq3A_102 : i32 to vector<1x128xi32>
    %eq3A_104 = arith.cmpi eq, %iota3A_91, %eq3A_103 : vector<1x128xi32>
    %jit3A_105 = arith.constant 0.000000e+00 : f32
    %broadcast_in_dim3A_106 = vector.shape_cast %add3A_54 : vector<1x1xf32> to vector<1x1xf32>
    %broadcast_in_dim3A_107 = vector.broadcast %broadcast_in_dim3A_106 : vector<1x1xf32> to vector<1x128xf32>
    %broadcast_in_dim3A_108 = vector.broadcast %jit3A_105 : f32 to vector<1x128xf32>
    %select_n3A_109 = arith.select %eq3A_104, %broadcast_in_dim3A_107, %broadcast_in_dim3A_108 : vector<1x128xi1>, vector<1x128xf32>
    %add3A_110 = arith.addf %select_n3A_101, %select_n3A_109 : vector<1x128xf32>
    %swap3A_111 = arith.constant 0 : index
    %swap3A_112 = arith.constant 0 : index
    %swap3A_113 = vector.load %arg2[%swap3A_111, %swap3A_112] : memref<1x128xf32, #tpu.memory_space<vmem>>, vector<1x128xf32>
    tpu.vector_store %arg2[%swap3A_111, %swap3A_112], %add3A_110 {strides = array<i32>} : memref<1x128xf32, #tpu.memory_space<vmem>>, vector<1x128xf32>,
    return
  }
}

module attributes {stable_mosaic.version = 14 : i64} {
  func.func @_feature_kernel(%arg0: memref<128x384xf32, #tpu.memory_space<vmem>>, %arg1: memref<1x128xf32, #tpu.memory_space<vmem>>, %arg2: memref<258x2143xbf16, #tpu.memory_space<vmem>>, %arg3: memref<100x1196xf32, #tpu.memory_space<vmem>>) attributes {dimension_semantics = [], scalar_prefetch = 0 : i64, scratch_operands = 0 : i64, tpu.core_type = #tpu.core_type<tc>} {
    %get3A = arith.constant 0 : index
    %get3A_0 = arith.constant 0 : index
    %get3A_1 = vector.load %arg0[%get3A, %get3A_0] : memref<128x384xf32, #tpu.memory_space<vmem>>, vector<128x345xf32>
    %get3A_2 = arith.constant 0 : index
    %get3A_3 = arith.constant 0 : index
    %get3A_4 = vector.load %arg1[%get3A_2, %get3A_3] : memref<1x128xf32, #tpu.memory_space<vmem>>, vector<1x128xf32>
    %slice3A = vector.extract_strided_slice %get3A_4 {offsets = [0, 0], sizes = [1, 1], strides = [1, 1]} : vector<1x128xf32> to vector<1x1xf32>
    %gt3A = arith.constant 0.000000e+00 : f32
    %gt3A_5 = vector.broadcast %gt3A : f32 to vector<1x1xf32>
    %gt3A_6 = arith.cmpf ogt, %slice3A, %gt3A_5 : vector<1x1xf32>
    %slice3A_7 = vector.extract_strided_slice %get3A_4 {offsets = [0, 1], sizes = [1, 1], strides = [1, 1]} : vector<1x128xf32> to vector<1x1xf32>
    %slice3A_8 = vector.extract_strided_slice %get3A_1 {offsets = [0, 120], sizes = [128, 63], strides = [1, 1]} : vector<128x345xf32> to vector<128x63xf32>
    %slice3A_9 = vector.extract_strided_slice %get3A_1 {offsets = [0, 282], sizes = [128, 63], strides = [1, 1]} : vector<128x345xf32> to vector<128x63xf32>
    %broadcast_in_dim3A = vector.shape_cast %gt3A_6 : vector<1x1xi1> to vector<1x1xi1>
    %broadcast_in_dim3A_10 = vector.broadcast %broadcast_in_dim3A : vector<1x1xi1> to vector<128x63xi1>
    %select_n3A = arith.select %broadcast_in_dim3A_10, %slice3A_8, %slice3A_9 : vector<128x63xi1>, vector<128x63xf32>
    %slice3A_11 = vector.extract_strided_slice %get3A_1 {offsets = [0, 183], sizes = [128, 75], strides = [1, 1]} : vector<128x345xf32> to vector<128x75xf32>
    %slice3A_12 = vector.extract_strided_slice %get3A_1 {offsets = [0, 0], sizes = [128, 120], strides = [1, 1]} : vector<128x345xf32> to vector<128x120xf32>
    %concatenate3A = tpu.concatenate %select_n3A, %slice3A_11, %slice3A_12 in 1 : vector<128x63xf32>, vector<128x75xf32>, vector<128x120xf32> -> vector<128x258xf32>
    %iota3A = tpu.iota {dimensions = array<i32: 1>} : vector<128x258xi32>
    %jit3A = arith.constant 3 : i32
    %eq3A = arith.constant 0 : i32
    %eq3A_13 = arith.cmpi eq, %jit3A, %eq3A : i32
    %jit3A_14 = arith.constant 1 : i32
    %select_n3A_15 = arith.select %eq3A_13, %jit3A_14, %jit3A : i32
    %rem3A = vector.broadcast %select_n3A_15 : i32 to vector<128x258xi32>
    %rem3A_16 = arith.remsi %iota3A, %rem3A : vector<128x258xi32>
    %ne3A = arith.constant 0 : i32
    %ne3A_17 = vector.broadcast %ne3A : i32 to vector<128x258xi32>
    %ne3A_18 = arith.cmpi ne, %rem3A_16, %ne3A_17 : vector<128x258xi32>
    %lt3A = arith.constant 0 : i32
    %lt3A_19 = vector.broadcast %lt3A : i32 to vector<128x258xi32>
    %lt3A_20 = arith.cmpi slt, %rem3A_16, %lt3A_19 : vector<128x258xi32>
    %lt3A_21 = arith.constant 0 : i32
    %lt3A_22 = arith.cmpi slt, %select_n3A_15, %lt3A_21 : i32
    %ne3A_23 = vector.broadcast %lt3A_22 : i1 to vector<128x258xi1>
    %ne3A_24 = vector.broadcast %ne3A_23 : vector<128x258xi1> to vector<128x258xi1>
    %ne3A_25 = arith.xori %lt3A_20, %ne3A_24 : vector<128x258xi1>
    %and3A = arith.andi %ne3A_25, %ne3A_18 : vector<128x258xi1>
    %add3A = vector.broadcast %select_n3A_15 : i32 to vector<128x258xi32>
    %add3A_26 = arith.addi %rem3A_16, %add3A : vector<128x258xi32>
    %select_n3A_27 = arith.select %and3A, %add3A_26, %rem3A_16 : vector<128x258xi1>, vector<128x258xi32>
    %eq3A_28 = arith.constant 0 : i32
    %eq3A_29 = vector.broadcast %eq3A_28 : i32 to vector<128x258xi32>
    %eq3A_30 = arith.cmpi eq, %select_n3A_27, %eq3A_29 : vector<128x258xi32>
    %and3A_31 = vector.broadcast %gt3A_6 : vector<1x1xi1> to vector<128x258xi1>
    %and3A_32 = arith.andi %and3A_31, %eq3A_30 : vector<128x258xi1>
    %neg3A = arith.constant 0.000000e+00 : f32
    %neg3A_33 = vector.broadcast %neg3A : f32 to vector<128x258xf32>
    %neg3A_34 = arith.subf %neg3A_33, %concatenate3A : vector<128x258xf32>
    %select_n3A_35 = arith.select %and3A_32, %neg3A_34, %concatenate3A : vector<128x258xi1>, vector<128x258xf32>
    %get3A_36 = arith.constant 0 : index
    %get3A_37 = arith.constant 0 : index
    %get3A_38 = vector.load %arg2[%get3A_36, %get3A_37] : memref<258x2143xbf16, #tpu.memory_space<vmem>>, vector<258x2143xbf16>
    %convert_element_type3A = arith.truncf %select_n3A_35 : vector<128x258xf32> to vector<128x258xbf16>
    %convert_element_type3A_39 = arith.extf %convert_element_type3A : vector<128x258xbf16> to vector<128x258xf32>
    %sub3A = arith.subf %select_n3A_35, %convert_element_type3A_39 : vector<128x258xf32>
    %convert_element_type3A_40 = arith.truncf %sub3A : vector<128x258xf32> to vector<128x258xbf16>
    %dot_general3A = arith.constant dense<0.000000e+00> : vector<128x2143xf32>
    %dot_general3A_41 = tpu.matmul %convert_element_type3A, %get3A_38, %dot_general3A {dimension_numbers = #tpu.dot_dimension_numbers<[1], [0], [0], [1], [0, 0, 1, 1], [], []>, transpose_lhs_hint = false} : vector<128x258xbf16>, vector<258x2143xbf16>, vector<128x2143xf32> -> vector<128x2143xf32>
    %dot_general3A_42 = arith.constant dense<0.000000e+00> : vector<128x2143xf32>
    %dot_general3A_43 = tpu.matmul %convert_element_type3A_40, %get3A_38, %dot_general3A_42 {dimension_numbers = #tpu.dot_dimension_numbers<[1], [0], [0], [1], [0, 0, 1, 1], [], []>, transpose_lhs_hint = false} : vector<128x258xbf16>, vector<258x2143xbf16>, vector<128x2143xf32> -> vector<128x2143xf32>
    %add3A_44 = arith.addf %dot_general3A_41, %dot_general3A_43 : vector<128x2143xf32>
    %slice3A_45 = vector.extract_strided_slice %add3A_44 {offsets = [0, 0], sizes = [128, 153], strides = [1, 1]} : vector<128x2143xf32> to vector<128x153xf32>
    %slice3A_46 = vector.extract_strided_slice %add3A_44 {offsets = [0, 153], sizes = [128, 1990], strides = [1, 1]} : vector<128x2143xf32> to vector<128x1990xf32>
    %iota3A_47 = tpu.iota {dimensions = array<i32: 0>} : vector<128x128xi32>
    %iota3A_48 = tpu.iota {dimensions = array<i32: 1>} : vector<128x128xi32>
    %add3A_49 = arith.constant 1 : i32
    %add3A_50 = vector.broadcast %add3A_49 : i32 to vector<128x128xi32>
    %add3A_51 = arith.addi %iota3A_47, %add3A_50 : vector<128x128xi32>
    %eq3A_52 = arith.cmpi eq, %iota3A_48, %add3A_51 : vector<128x128xi32>
    %convert_element_type3A_53 = arith.extui %eq3A_52 : vector<128x128xi1> to vector<128x128xi32>
    %convert_element_type3A_54 = arith.sitofp %convert_element_type3A_53 : vector<128x128xi32> to vector<128x128xf32>
    %dot_general3A_55 = arith.constant dense<0.000000e+00> : vector<128x153xf32>
    %dot_general3A_56 = tpu.matmul %convert_element_type3A_54, %slice3A_45, %dot_general3A_55 {dimension_numbers = #tpu.dot_dimension_numbers<[1], [0], [0], [1], [0, 0, 1, 1], [], []>, precision = #tpu.contract_precision<fp32>, transpose_lhs_hint = false} : vector<128x128xf32>, vector<128x153xf32>, vector<128x153xf32> -> vector<128x153xf32>
    %iota3A_57 = tpu.iota {dimensions = array<i32: 0>} : vector<128x1xi32>
    %convert_element_type3A_58 = arith.sitofp %iota3A_57 : vector<128x1xi32> to vector<128x1xf32>
    %sub3A_59 = arith.constant 1.000000e+00 : f32
    %sub3A_60 = vector.broadcast %sub3A_59 : f32 to vector<1x1xf32>
    %sub3A_61 = arith.subf %slice3A_7, %sub3A_60 : vector<1x1xf32>
    %lt3A_62 = vector.broadcast %sub3A_61 : vector<1x1xf32> to vector<128x1xf32>
    %lt3A_63 = arith.cmpf olt, %convert_element_type3A_58, %lt3A_62 : vector<128x1xf32>
    %convert_element_type3A_64 = arith.extui %lt3A_63 : vector<128x1xi1> to vector<128x1xi32>
    %convert_element_type3A_65 = arith.sitofp %convert_element_type3A_64 : vector<128x1xi32> to vector<128x1xf32>
    %sub3A_66 = arith.subf %slice3A_45, %dot_general3A_56 : vector<128x153xf32>
    %mul3A = vector.broadcast %convert_element_type3A_65 : vector<128x1xf32> to vector<128x153xf32>
    %mul3A_67 = arith.mulf %sub3A_66, %mul3A : vector<128x153xf32>
    %slice3A_68 = vector.extract_strided_slice %slice3A_46 {offsets = [0, 0], sizes = [128, 210], strides = [1, 1]} : vector<128x1990xf32> to vector<128x210xf32>
    %integer_pow3A = arith.mulf %slice3A_68, %slice3A_68 : vector<128x210xf32>
    %slice3A_69 = vector.extract_strided_slice %slice3A_46 {offsets = [0, 210], sizes = [128, 210], strides = [1, 1]} : vector<128x1990xf32> to vector<128x210xf32>
    %integer_pow3A_70 = arith.mulf %slice3A_69, %slice3A_69 : vector<128x210xf32>
    %add3A_71 = arith.addf %integer_pow3A, %integer_pow3A_70 : vector<128x210xf32>
    %slice3A_72 = vector.extract_strided_slice %slice3A_46 {offsets = [0, 420], sizes = [128, 210], strides = [1, 1]} : vector<128x1990xf32> to vector<128x210xf32>
    %integer_pow3A_73 = arith.mulf %slice3A_72, %slice3A_72 : vector<128x210xf32>
    %add3A_74 = arith.addf %add3A_71, %integer_pow3A_73 : vector<128x210xf32>
    %sqrt3A = math.sqrt %add3A_74 : vector<128x210xf32>
    %slice3A_75 = vector.extract_strided_slice %slice3A_46 {offsets = [0, 630], sizes = [128, 300], strides = [1, 1]} : vector<128x1990xf32> to vector<128x300xf32>
    %integer_pow3A_76 = arith.mulf %slice3A_75, %slice3A_75 : vector<128x300xf32>
    %slice3A_77 = vector.extract_strided_slice %slice3A_46 {offsets = [0, 930], sizes = [128, 300], strides = [1, 1]} : vector<128x1990xf32> to vector<128x300xf32>
    %integer_pow3A_78 = arith.mulf %slice3A_77, %slice3A_77 : vector<128x300xf32>
    %add3A_79 = arith.addf %integer_pow3A_76, %integer_pow3A_78 : vector<128x300xf32>
    %sqrt3A_80 = math.sqrt %add3A_79 : vector<128x300xf32>
    %slice3A_81 = vector.extract_strided_slice %slice3A_46 {offsets = [0, 1230], sizes = [128, 190], strides = [1, 1]} : vector<128x1990xf32> to vector<128x190xf32>
    %integer_pow3A_82 = arith.mulf %slice3A_81, %slice3A_81 : vector<128x190xf32>
    %slice3A_83 = vector.extract_strided_slice %slice3A_46 {offsets = [0, 1420], sizes = [128, 190], strides = [1, 1]} : vector<128x1990xf32> to vector<128x190xf32>
    %integer_pow3A_84 = arith.mulf %slice3A_83, %slice3A_83 : vector<128x190xf32>
    %add3A_85 = arith.addf %integer_pow3A_82, %integer_pow3A_84 : vector<128x190xf32>
    %sqrt3A_86 = math.sqrt %add3A_85 : vector<128x190xf32>
    %slice3A_87 = vector.extract_strided_slice %slice3A_46 {offsets = [0, 1610], sizes = [128, 190], strides = [1, 1]} : vector<128x1990xf32> to vector<128x190xf32>
    %integer_pow3A_88 = arith.mulf %slice3A_87, %slice3A_87 : vector<128x190xf32>
    %slice3A_89 = vector.extract_strided_slice %slice3A_46 {offsets = [0, 1800], sizes = [128, 190], strides = [1, 1]} : vector<128x1990xf32> to vector<128x190xf32>
    %integer_pow3A_90 = arith.mulf %slice3A_89, %slice3A_89 : vector<128x190xf32>
    %add3A_91 = arith.addf %integer_pow3A_88, %integer_pow3A_90 : vector<128x190xf32>
    %sqrt3A_92 = math.sqrt %add3A_91 : vector<128x190xf32>
    %slice3A_93 = vector.extract_strided_slice %slice3A_45 {offsets = [0, 0], sizes = [100, 153], strides = [1, 1]} : vector<128x153xf32> to vector<100x153xf32>
    %swap3A = arith.constant 0 : index
    %swap3A_94 = arith.constant 0 : index
    %swap3A_95 = vector.load %arg3[%swap3A, %swap3A_94] : memref<100x1196xf32, #tpu.memory_space<vmem>>, vector<100x153xf32>
    tpu.vector_store %arg3[%swap3A, %swap3A_94], %slice3A_93 {strides = array<i32>} : memref<100x1196xf32, #tpu.memory_space<vmem>>, vector<100x153xf32>,
    %slice3A_96 = vector.extract_strided_slice %mul3A_67 {offsets = [0, 0], sizes = [100, 153], strides = [1, 1]} : vector<128x153xf32> to vector<100x153xf32>
    %swap3A_97 = arith.constant 0 : index
    %swap3A_98 = arith.constant 153 : index
    %swap3A_99 = vector.load %arg3[%swap3A_97, %swap3A_98] : memref<100x1196xf32, #tpu.memory_space<vmem>>, vector<100x153xf32>
    tpu.vector_store %arg3[%swap3A_97, %swap3A_98], %slice3A_96 {strides = array<i32>} : memref<100x1196xf32, #tpu.memory_space<vmem>>, vector<100x153xf32>,
    %slice3A_100 = vector.extract_strided_slice %sqrt3A {offsets = [0, 0], sizes = [100, 210], strides = [1, 1]} : vector<128x210xf32> to vector<100x210xf32>
    %swap3A_101 = arith.constant 0 : index
    %swap3A_102 = arith.constant 306 : index
    %swap3A_103 = vector.load %arg3[%swap3A_101, %swap3A_102] : memref<100x1196xf32, #tpu.memory_space<vmem>>, vector<100x210xf32>
    tpu.vector_store %arg3[%swap3A_101, %swap3A_102], %slice3A_100 {strides = array<i32>} : memref<100x1196xf32, #tpu.memory_space<vmem>>, vector<100x210xf32>,
    %slice3A_104 = vector.extract_strided_slice %sqrt3A_80 {offsets = [0, 0], sizes = [100, 300], strides = [1, 1]} : vector<128x300xf32> to vector<100x300xf32>
    %swap3A_105 = arith.constant 0 : index
    %swap3A_106 = arith.constant 516 : index
    %swap3A_107 = vector.load %arg3[%swap3A_105, %swap3A_106] : memref<100x1196xf32, #tpu.memory_space<vmem>>, vector<100x300xf32>
    tpu.vector_store %arg3[%swap3A_105, %swap3A_106], %slice3A_104 {strides = array<i32>} : memref<100x1196xf32, #tpu.memory_space<vmem>>, vector<100x300xf32>,
    %slice3A_108 = vector.extract_strided_slice %sqrt3A_86 {offsets = [0, 0], sizes = [100, 190], strides = [1, 1]} : vector<128x190xf32> to vector<100x190xf32>
    %swap3A_109 = arith.constant 0 : index
    %swap3A_110 = arith.constant 816 : index
    %swap3A_111 = vector.load %arg3[%swap3A_109, %swap3A_110] : memref<100x1196xf32, #tpu.memory_space<vmem>>, vector<100x190xf32>
    tpu.vector_store %arg3[%swap3A_109, %swap3A_110], %slice3A_108 {strides = array<i32>} : memref<100x1196xf32, #tpu.memory_space<vmem>>, vector<100x190xf32>,
    %slice3A_112 = vector.extract_strided_slice %sqrt3A_92 {offsets = [0, 0], sizes = [100, 190], strides = [1, 1]} : vector<128x190xf32> to vector<100x190xf32>
    %swap3A_113 = arith.constant 0 : index
    %swap3A_114 = arith.constant 1006 : index
    %swap3A_115 = vector.load %arg3[%swap3A_113, %swap3A_114] : memref<100x1196xf32, #tpu.memory_space<vmem>>, vector<100x190xf32>
    tpu.vector_store %arg3[%swap3A_113, %swap3A_114], %slice3A_112 {strides = array<i32>} : memref<100x1196xf32, #tpu.memory_space<vmem>>, vector<100x190xf32>,
    return
  }
}

</mosaic_0001>

<sc_bundles>
// kernel: kernel.5.cloned.1.call-start
scs
__scs_entry_jumppad:
0x0: {  	(pc) =	sbr.rel $0x88, $3  }
0x1: {  	(tag) =	ssettag $0x0;
	lr =	simm.s32 $0x1  }
0x2: {  	[smem:$0x3FA0] =	sst lr;
	_ =	strace $0xD0000000  }
0x3: {  	_ = 	snop  }
0x4: {  	_ = 	snop  }
0x5: {  	_ = 	snop  }
0x6: {  	_ = 	snop  }
0x7: {  	_ = 	snop  }
__scs_overlays_trampoline_lowered:
0x8: {  	[smem:$0x3FAF] =	sst s0  }
0x9: {  	[smem:$0x3FB0] =	sst s1  }
0xa: {  	[smem:$0x3FB1] =	sst s2  }
0xb: {  	[smem:$0x3FB2] =	sst s3  }
0xc: {  	[smem:$0x3FB3] =	sst s4  }
0xd: {  	[smem:$0x3FB4] =	sst s5  }
0xe: {  	[smem:$0x3FB5] =	sst s6  }
0xf: {  	[smem:$0x3FB6] =	sst s7  }
0x10: {  	[smem:$0x3FB7] =	sst s8  }
0x11: {  	[smem:$0x3FB8] =	sst s9;
	s0 =	simm.s32 @!p0 $0x0  }
0x12: {  	s1 =	sld [smem:$0x3F9E];
	s0 =	simm.s32 @p0 $0x1  }
0x13: {  	[smem:$0x3FB9] =	sst s0;
	s0 =	simm.s32 @!p1 $0x0  }
0x14: {  	s2 =	sld [smem:$0x3F9D];
	s0 =	simm.s32 @p1 $0x1  }
0x15: {  	[smem:$0x3FBA] =	sst s0;
	s0 =	simm.s32 @!p2 $0x0  }
0x16: {  	s3 =	sld [smem:$0x3FDB];
	s0 =	simm.s32 @p2 $0x1  }
0x17: {  	s4 =	simm.s32 $0x1BF5;
	[smem:$0x3FBC] =	sst s0  }
0x18: {  	s0 =	sld [smem:$0x3F9F];
	_ =	swait.ge [sflag:s4], $0x0  }
0x19: {  	s7 =	sld [smem:$0x3FA0]  }
0x1a: {  	s8 =	sadd.s32 $0xFFFFE003, lr  }
0x1b: {  	s9 =	sadd.s32 $0xFFFFFEF7, lr;
	s5 =	simm.s32 $0xFFFFFFFF;
	p2 =	slt.u32 s8, $0xFFFFF086  }
0x1c: {  	p1 =	slt.u32 s9, $0xF7A;
	s5 =	simm.s32 @!p2 $0x0  }
0x1d: {  	s5 =	simm.s32 @p1 $0x1;
	p0 =	seq.s32 s7, s2  }
0x1e: {  	s7 =	smul.u32 @!p0 $0xF7A, s2;
	p2 =	seq.s32 @!p0 s5, $0x0  }
0x1f: {  	s9 =	smul.u32 $0xF7A, s1;
	s8 =	simm.s32 @!p0 $0x1BF5;
	p2 =	por !p2, p0  }
0x20: {  	[sflag:s8] =	ssyncset.s32 @!p0 $0xFFFFF086;
	s6 =	sadd.s32 @!p0 s3, s7;
	s7 =	simm.s32 @!p0 $0x108  }
0x21: {  	s3 =	sadd.s32 s3, s9;
	s6 =	sadd.s32 @!p0 $0x88, s6;
	s7 =	simm.s32 @p2 $0x1082  }
0x22: {  	[simem:s7], [sflag:s8] =	dma.local @!p0 [hbm:s6], $0xF7A  }
0x23: {  	s9 =	sor.u32 $0xD0000000, s2;
	s6 =	simm.s32 $0x108;
	_ =	swait.ge @!p0 [sflag:s8], $0x0  }
0x24: {  	s3 =	sadd.s32 $0x88, s3;
	s6 =	simm.s32 @!p1 $0x1082;
	[sflag:s4] =	ssyncset.s32 $0xFFFFF086  }
0x25: {  	[simem:s6], [sflag:s4] =	dma.local [hbm:s3], $0xF7A  }
0x26: {  	[smem:$0x3FA0] =	sst s1;
	(tag) =	ssettag s2;
	_ =	strace s9  }
0x27: {  	s1 =	sld [smem:$0x3FB0]  }
0x28: {  	s2 =	sld [smem:$0x3FB1]  }
0x29: {  	s4 =	sld [smem:$0x3FB3]  }
0x2a: {  	p0 =	seq.s32 s5, $0x0;
	s5 =	sld [smem:$0x3FB4]  }
0x2b: {  	s6 =	sld [smem:$0x3FB5]  }
0x2c: {  	s7 =	sld [smem:$0x3FB6]  }
0x2d: {  	s3 =	simm.s32 $0x108;
	s8 =	sld [smem:$0x3FB7]  }
0x2e: {  	s3 =	simm.s32 @!p0 $0x1082;
	s9 =	sld [smem:$0x3FB8]  }
0x2f: {  	lr =	sadd.s32 s0, s3;
	s0 =	sld [smem:$0x3FAF]  }
0x30: {  	s3 =	sld [smem:$0x3FB2]  }
0x31: {  	[smem:$0x3FBB] =	sst s10  }
0x32: {  	s10 =	sld [smem:$0x3FB9];
	_ =	sdelay $0x3  }
0x33: {  	p0 =	seq.s32 s10, $0x1;
	s10 =	sld [smem:$0x3FBB];
	_ =	sdelay $0x3  }
0x34: {  	[smem:$0x3FBB] =	sst s10  }
0x35: {  	s10 =	sld [smem:$0x3FBA];
	_ =	sdelay $0x3  }
0x36: {  	p1 =	seq.s32 s10, $0x1;
	s10 =	sld [smem:$0x3FBB];
	_ =	sdelay $0x3  }
0x37: {  	[smem:$0x3FBB] =	sst s10  }
0x38: {  	s10 =	sld [smem:$0x3FBC]  }
0x39: {  	_ = 	snop;
	(pc) =	sbr.ind lr, $3  }
0x3a: {  	_ = 	snop  }
0x3b: {  	_ = 	snop  }
0x3c: {  	p2 =	seq.s32 s10, $0x1;
	s10 =	sld [smem:$0x3FBB]  }
0x3d: {  	_ =	shalt  }
0x3e: {  	_ =	shalt  }
0x3f: {  	_ =	shalt  }
0x40: {  	_ =	shalt  }
0x41: {  	_ =	shalt  }
0x42: {  	_ =	shalt  }
0x43: {  	_ =	shalt  }
0x44: {  	_ =	shalt  }
0x45: {  	_ =	shalt  }
0x46: {  	_ =	shalt  }
0x47: {  	_ =	shalt  }
0x48: {  	_ =	shalt  }
0x49: {  	_ =	shalt  }
0x4a: {  	_ =	shalt  }
0x4b: {  	_ =	shalt  }
0x4c: {  	_ =	shalt  }
0x4d: {  	_ =	shalt  }
0x4e: {  	_ =	shalt  }
0x4f: {  	_ =	shalt  }
0x50: {  	_ =	shalt  }
0x51: {  	_ =	shalt  }
0x52: {  	_ =	shalt  }
0x53: {  	_ =	shalt  }
0x54: {  	_ =	shalt  }
0x55: {  	_ =	shalt  }
0x56: {  	_ =	shalt  }
0x57: {  	_ =	shalt  }
0x58: {  	_ =	shalt  }
0x59: {  	_ =	shalt  }
0x5a: {  	_ =	shalt  }
0x5b: {  	_ =	shalt  }
0x5c: {  	_ =	shalt  }
0x5d: {  	_ =	shalt  }
0x5e: {  	_ =	shalt  }
0x5f: {  	_ =	shalt  }
0x60: {  	_ =	shalt  }
0x61: {  	_ =	shalt  }
0x62: {  	_ =	shalt  }
0x63: {  	_ =	shalt  }
0x64: {  	_ =	shalt  }
0x65: {  	_ =	shalt  }
0x66: {  	_ =	shalt  }
0x67: {  	_ =	shalt  }
0x68: {  	_ =	shalt  }
0x69: {  	_ =	shalt  }
0x6a: {  	_ =	shalt  }
0x6b: {  	_ =	shalt  }
0x6c: {  	_ =	shalt  }
0x6d: {  	_ =	shalt  }
0x6e: {  	_ =	shalt  }
0x6f: {  	_ =	shalt  }
0x70: {  	_ =	shalt  }
0x71: {  	_ =	shalt  }
0x72: {  	_ =	shalt  }
0x73: {  	_ =	shalt  }
0x74: {  	_ =	shalt  }
0x75: {  	_ =	shalt  }
0x76: {  	_ =	shalt  }
0x77: {  	_ =	shalt  }
0x78: {  	_ =	shalt  }
0x79: {  	_ =	shalt  }
0x7a: {  	_ =	shalt  }
0x7b: {  	_ =	shalt  }
0x7c: {  	_ =	shalt  }
0x7d: {  	_ =	shalt  }
0x7e: {  	_ =	shalt  }
0x7f: {  	_ =	shalt  }
0x80: {  	_ =	shalt  }
0x81: {  	_ =	shalt  }
0x82: {  	_ =	shalt  }
0x83: {  	_ =	shalt  }
0x84: {  	_ =	shalt  }
0x85: {  	_ =	shalt  }
0x86: {  	_ =	shalt  }
0x87: {  	_ =	shalt  }
.Lfunc_end0:
.L_simem_size_0:
called_computation_lowered:
.L_overlay_start_0:
0x88: {  	s2 =	sld [smem:$0x3FD9]  }
0x89: {  	s3 =	sld [smem:$0x3FFE];
	_ =	sdelay $0x1  }
0x8a: {  	s1 =	srdreg.scid  }
0x8b: {  	s0 =	sand.u32 $0x1, s1  }
0x8c: {  	s17 =	sshll.u32 s0, $0xA;
	s2 =	sadd.s32 s3, s2  }
0x8d: {  	s2 =	sadd.s32 s2, s17  }
0x8e: {  	[smem:$0x3FC7] =	sst s2  }
0x8f: {  	_ = 	snop  }
0x90: {  	s2 =	sld [smem:$0x3FD0];
	(tm) =	ssettm $0x1  }
0x91: {  	s18 =	sld [smem:$0x3FFB];
	_ =	sdelay $0x3  }
0x92: {  	_ =	strace s18  }
0x93: {  	s3 =	sld [smem:$0x3FFC];
	_ =	sdelay $0x3  }
0x94: {  	_ =	strace s3  }
0x95: {  	s3 =	sld [smem:$0x3FFD];
	_ =	sdelay $0x3  }
0x96: {  	_ =	strace s3  }
0x97: {  	_ =	strace $0x8FFFFFFF  }
0x98: {  	s19 =	sld [smem:$0x3FDB];
	_ =	sdelay $0x1  }
0x99: {  	s4 =	simm.s32 $_scs_section_size  }
0x9a: {  	s5 =	simm.s32 $_size__tile_overlayer_lowered;
	s6 =	simm.s32 $_tile_overlayer_lowered  }
0x9b: {  	s22 =	simm.s32 $0x1BFF;
	s21 =	sshll.u32 s6, $0x1;
	s3 =	sadd.s32 s4, s19  }
0x9c: {  	s7 =	simm.s32 $0x0;
	s20 =	sshll.u32 s5, $0x1;
	s5 =	sadd.s32 s21, s3  }
0x9d: {  	[timem:s7], [sflag:s22] =	dma.local [hbm:s5], s20  }
0x9e: {  	_ =	swait.ge [sflag:s22], s20  }
0x9f: {  	s4 =	ssub.s32 $0x0, s20;
	[sflag:s22] =	ssyncset.done $0x0  }
0xa0: {  	[sflag:s22] =	ssyncadd.s32 s4;
	_ =	sdelay $0x1  }
0xa1: {  	s23 =	simm.s32 $0x1B8B  }
0xa2: {  	_ =	swait.ge [sflag:s23], $0x1  }
0xa3: {  	[sflag:s23] =	ssyncset.done $0x0  }
0xa4: {  	s25 =	simm.s32 $0x1B8E;
	s24 =	sld [smem:$0x3FFE];
	[sflag:s23] =	ssyncadd.s32 $0xFFFFFFFF  }
0xa5: {  	s26 =	simm.s32 $execute0_lowered;
	[smem:$0x3FD2] =	sst s25  }
0xa6: {  	s5 =	sshll.u32 s26, $0x1;
	_ =	strace $0x80000046;
	[dreg:$0x1] =	wrdreg $0xFFFFFFFF  }
0xa7: {  	s28 =	simm.s32 $_size_execute0_lowered;
	s3 =	sadd.s32 s3, s5;
	[dreg:$0x0] =	wrdreg $0x0  }
0xa8: {  	s5 =	sshll.u32 s28, $0x1;
	[dreg:$0x2] =	wrdreg s3  }
0xa9: {  	[dreg:$0x3] =	wrdreg s5  }
0xaa: {  	[dreg:$0x4] =	wrdreg $0xC0  }
0xab: {  	_ =	task [dreg:s7], $0x5FFFF  }
0xac: {  	[dreg:$0x1] =	wrdreg $0xFFFFFFFF  }
0xad: {  	[dreg:$0x0] =	wrdreg $0x60  }
0xae: {  	[dreg:$0x2] =	wrdreg s24  }
0xaf: {  	[dreg:$0x3] =	wrdreg s2  }
0xb0: {  	[dreg:$0x4] =	wrdreg $0x9  }
0xb1: {  	_ =	task.clear_ibuf [dreg:s7], $0x5FFFF;
	_ =	strace $0x90000046  }
0xb2: {  	s29 =	simm.s32 $0x9;
	_ =	strace $0x80000048  }
0xb3: {  	_ =	swait.ge [sflag:s29], $0x1  }
0xb4: {  	[sflag:s29] =	ssyncadd.s32 $0xFFFFFFFF  }
0xb5: {  	_ =	strace $0x90000048  }
0xb6: {  	_ =	sfence  }
0xb7: {  	s30 =	sld [smem:$0x0];
	_ =	sdelay $0x2  }
0xb8: {  	s31 =	sshll.u32 s1, $0xD;
	s1 =	sshrl.u32 s1, $0x2  }
0xb9: {  	s3 =	sand.u32 $0x4000, s31;
	s1 =	sadd.s32 s1, s30  }
0xba: {  	s0 =	sor.u32 s3, s0;
	s1 =	sshll.u32 s1, $0x11  }
0xbb: {  	s0 =	sor.u32 s1, s0  }
0xbc: {  	s0 =	sadd.s32 $0x8F2B, s0  }
0xbd: {  	[sflag:s0] =	ssyncadd.remote.s32 $0x1  }
0xbe: {  	_ =	sfence.sel $0xFFFF  }
0xbf: {  	[dreg:$0x0] =	wrdreg $0xFFFFFFFF;
	(pc) =	sbr.abs _section_cstart, $3  }
0xc0: {  	[dreg:$0x1] =	wrdreg $0xFFFFFFFF  }
0xc1: {  	_ =	task.clear_ibuf [dreg:s7], $0x2FFFF;
	_ =	strace $0x9FFFFFFF  }
0xc2: {  	(tm) =	ssettm $0x7FFFFFFF  }
0xc3: {  	_ =	shalt  }
tec
execute0_lowered:
.L_overlay_start_1:
0x0: {  	(tag) =	ssettag $0x1  }
0x1: {  	s1 =	stileid.u32  }
0x2: {  	p0 =	sgt.u32 s1, $0x7  }
.Ltmp0:
0x3: {  	_ = 	snop;
	(pc) =	sbr.rel @p0 .LBB2_4-.Ltmp0, $4  }
0x4: {  	s6 =	rddreg [dreg:$0x0]  }
0x5: {  	s10 =	rddreg [dreg:$0x1];
	s2 =	simm.s32 $0x0  }
0x6: {  	[smem:$0x7FF] =	sst s2  }
0x7: {  	s0 =	rddreg [dreg:$0x2];
	_ =	strace $0x80000047  }
0x8: {  	s3 =	srdreg.scid  }
0x9: {  	s30 =	sshll.u32 s1, $0x1;
	s8 =	sand.u32 $0x1, s3  }
0xa: {  	s4 =	sadd.s32 $0x18E00, s6;
	s11 =	sor.u32 s8, s30  }
0xb: {  	s3 =	simm.s32 $0x2;
	s4 =	sadd.s32 s4, s11  }
0xc: {  	[tilespmem:s2], [sflag:$0x2] =	stream.linear.gather [hbm4b:s4+s2], $0x8, $0x38;
	[tilespmem:$0xC80] =	vst v63  }
0xd: {  	_ =	swait.ge [sflag:s3], $0x8  }
0xe: {  	[sflag:s3] =	ssyncset.done $0x0  }
0xf: {  	[sflag:s3] =	ssyncadd.s32 $0xFFFFFFF8  }
0x10: {  	v0 =	vld.msk [tilespmem:$0x0], $0xff;
	_ =	sdelay $0x4  }
0x11: {  	v1 =	vshrl.u32 v0, $0x3  }
0x12: {  	v1 =	vmul.u32 $0x18, v1  }
0x13: {  	v2 =	vlaneseq.u32;
	v3 =	vand.u32 $0x7, v0  }
0x14: {  	v0 =	vand.u32 $0x7, v2;
	v2 =	vshrl.u32 v2, $0x3;
	v3 =	vor.u32 v3, v1  }
0x15: {  	v1 =	vmul.u32 $0x8, v2;
	v2 =	vperm.xlane v3, v0;
	_ =	sdelay $0x1  }
0x16: {  	v2 =	vadd.s32 v1, v2;
	_ =	sdelay $0x1  }
0x17: {  	s12 =	ssub.s32 $0x2, s8  }
0x18: {  	s5 =	sadd.s32 $0xE00, s6;
	s13 =	sshrl.u32 s12, $0x1  }
0x19: {  	s6 =	sadd.s32 $0xF00, s6;
	vm0 =	vmmov $0xffff;
	s7 =	simm.s32 $0x80;
	s12 =	ssub.s32 s12, s13  }
0x1a: {  	[tilespmem:s7], [sflag:$0x1] =	stream.indirect_vreg.gather [hbm4b:s5+s2], $0x80, v2, vm0, $0xb8;
	[tilespmem:$0xC80] =	vst v63  }
0x1b: {  	vm1 =	vmmov $0xff;
	s9 =	simm.s32 $0x1;
	s8 =	simm.s32 $0x880;
	s31 =	smax.u32 s12, $0x1  }
0x1c: {  	[tilespmem:s8], [sflag:$0x1] =	stream.indirect_vreg.gather [hbm4b:s6+s2], $0x80, v2, vm1, $0xb8;
	[tilespmem:$0xC80] =	vst v63  }
0x1d: {  	s11 =	smul.u32 $0x180, s11;
	p0 =	sne.s32 s31, $0x1;
	_ =	swait.ge [sflag:s9], $0xC00  }
.Ltmp1:
0x1e: {  	[sflag:s9] =	ssyncset.done $0x0;
	(pc) =	sbr.rel @!p0 .LBB2_3-.Ltmp1, $4  }
0x1f: {  	s10 =	sadd.s32 s10, s11;
	[sflag:s9] =	ssyncadd.s32 $0xFFFFF400  }
0x20: {  	[hbm4b:s10+s2] =	stream.linear.scatter [tilespmem:s7], [sflag:$0x2], $0xC00, $0x38;
	[tilespmem:$0xC80] =	vst v63  }
0x21: {  	_ =	swait.ge [sflag:s3], $0xC00  }
0x22: {  	s11 =	sadd.s32 $0xFFFFFFFF, s31;
	[sflag:s3] =	ssyncset.done $0x0  }
.LBB2_2:
0x23: {  	p0 =	sne.s32 s11, $0x1;
	s11 =	sadd.s32 $0xFFFFFFFF, s11;
	[sflag:s3] =	ssyncadd.s32 $0xFFFFF400  }
0x24: {  	[tilespmem:s2], [sflag:$0x2] =	stream.linear.gather [hbm4b:s4+s2], $0x8, $0x38;
	[tilespmem:$0xC80] =	vst v63  }
0x25: {  	_ =	swait.ge [sflag:s3], $0x8  }
0x26: {  	[sflag:s3] =	ssyncset.done $0x0  }
0x27: {  	[sflag:s3] =	ssyncadd.s32 $0xFFFFFFF8  }
0x28: {  	v2 =	vld.msk [tilespmem:$0x0], $0xff;
	_ =	sdelay $0x4  }
0x29: {  	v3 =	vshrl.u32 v2, $0x3  }
0x2a: {  	v3 =	vmul.u32 $0x18, v3  }
0x2b: {  	v2 =	vand.u32 $0x7, v2  }
0x2c: {  	v2 =	vor.u32 v2, v3  }
0x2d: {  	v2 =	vperm.xlane v2, v0;
	_ =	sdelay $0x1  }
0x2e: {  	v2 =	vadd.s32 v1, v2;
	_ =	sdelay $0x4  }
0x2f: {  	[tilespmem:s7], [sflag:$0x1] =	stream.indirect_vreg.gather [hbm4b:s5+s2], $0x80, v2, vm0, $0xb8;
	[tilespmem:$0xC80] =	vst v63  }
0x30: {  	_ = 	snop  }
0x31: {  	[tilespmem:s8], [sflag:$0x1] =	stream.indirect_vreg.gather [hbm4b:s6+s2], $0x80, v2, vm1, $0xb8;
	[tilespmem:$0xC80] =	vst v63  }
0x32: {  	_ =	swait.ge [sflag:s9], $0xC00  }
.Ltmp2:
0x33: {  	[sflag:s9] =	ssyncset.done $0x0;
	(pc) =	sbr.rel @p0 .LBB2_2-.Ltmp2, $4  }
0x34: {  	[sflag:s9] =	ssyncadd.s32 $0xFFFFF400  }
0x35: {  	[hbm4b:s10+s2] =	stream.linear.scatter [tilespmem:s7], [sflag:$0x2], $0xC00, $0x38;
	[tilespmem:$0xC80] =	vst v63  }
0x36: {  	_ =	swait.ge [sflag:s3], $0xC00  }
0x37: {  	[sflag:s3] =	ssyncset.done $0x0  }
.LBB2_3:
0x38: {  	[sflag:s3] =	ssyncadd.s32 $0xFFFFF400  }
.LBB2_4:
0x39: {  	_ =	sfence.sel $0x180000  }
0x3a: {  	[bflag:$0x0] =	sbarrier.arrive $0xFFFF  }
0x3b: {  	p0 =	sne.s32 s1, $0x0;
	_ =	strace $0x90000047  }
0x3c: {  	s0 =	sadd.s32 @!p0 $0x100000, s0;
	[bflag:$0x2] =	sbarrier.arrive $0xFFFF  }
0x3d: {  	[sflag:s0] =	ssyncadd.tile.s32 @!p0 $0x1;
	_ =	shalt  }
.Lfunc_end2:
_tile_overlayer_lowered:
.L_overlay_start_2:
0x3e: {  	(tag) =	ssettag $0x2  }
0x3f: {  	s0 =	rddreg [dreg:$0x0];
	s2 =	stileid.u32  }
0x40: {  	s1 =	rddreg [dreg:$0x1];
	p0 =	sne.s32 s2, $0x0  }
0x41: {  	s3 =	rddreg [dreg:$0x2];
	[bflag:$0x3] =	sbarrier.arrive $0xFFFF;
	s2 =	simm.s32 @!p0 $0x1C02  }
0x42: {  	[timem:s3], [sflag:s2] =	dma.local @!p0 [hbm:s0], s1  }
0x43: {  	s0 =	simm.s32 @!p0 $0x2  }
0x44: {  	_ =	swait.ge @!p0 [sflag:s0], s1  }
0x45: {  	s1 =	ssub.s32 @!p0 $0x0, s1;
	[sflag:s0] =	ssyncset.done @!p0 $0x0  }
0x46: {  	[sflag:s0] =	ssyncadd.s32 @!p0 s1  }
0x47: {  	[bflag:$0x3] =	sbarrier.arrive $0xFFFF  }
0x48: {  	_ =	shalt  }

</sc_bundles>
